<compile_context>
chip_gen: v7x
topology: tpu7x:2x2x1
jax: 0.10.2.dev20260603
libtpu: 0.0.44.dev20260713+nightly
codegen_flags: <defaults>
</compile_context>

<pallas_src>
import functools

import jax
import jax.numpy as jnp
from jax import lax
from jax.experimental import pallas as pl
from jax.experimental.pallas import tpu as pltpu
from jax.experimental.pallas import tpu_sc as plsc

N = 10000
D = 128
L = 2
COORD_RANGE = 12.0 / L

NC = 2
NS = 16
NW = NC * NS

E = 160000
EP = 163840
EW = EP // NW
NP = 10240
SINK = N

EB = 2048
NB = 2048
SC_CHUNK = 128

_MESH = plsc.VectorSubcoreMesh(core_axis_name="c", subcore_axis_name="s")
_SC_PARAMS = pltpu.CompilerParams(needs_layout_passes=False)


def _wid():
    return lax.axis_index("s") * NC + lax.axis_index("c")


def _silu(v):
    return v * jax.nn.sigmoid(v)


def _s1_body(xt_hbm, row_hbm, col_hbm, rad_hbm, cd0_hbm, cd1_hbm, cd2_hbm,
             aggp_hbm, xt_v, row_v, col_v, rad_v, c0_v, c1_v, c2_v, agg_v,
             sem):
    wid = _wid()
    base = wid * EW
    pltpu.sync_copy(xt_hbm, xt_v)
    pltpu.sync_copy(row_hbm.at[pl.ds(base, EW)], row_v)
    pltpu.sync_copy(col_hbm.at[pl.ds(base, EW)], col_v)

    def zero(i, c):
        agg_v[pl.ds(i * 16, 16)] = jnp.zeros((16,), jnp.float32)
        return c
    lax.fori_loop(0, NP // 16, zero, 0)

    cd_refs = (c0_v, c1_v, c2_v)

    def body(g, c):
        sl = pl.ds(g * 16, 16)
        r = row_v[sl]
        cc = col_v[sl]
        rad = jnp.zeros((16,), jnp.float32)
        for j in range(3):
            off = jnp.int32(j * NP)
            dj = (plsc.load_gather(xt_v, [r + off])
                  - plsc.load_gather(xt_v, [cc + off]))
            cd_refs[j][sl] = dj
            rad = rad + dj * dj
        rad_v[sl] = rad
        plsc.addupdate_scatter(agg_v, [r], rad)
        return c
    lax.fori_loop(0, EW // 16, body, 0)

    pltpu.sync_copy(rad_v, rad_hbm.at[pl.ds(base, EW)])
    pltpu.sync_copy(c0_v, cd0_hbm.at[pl.ds(base, EW)])
    pltpu.sync_copy(c1_v, cd1_hbm.at[pl.ds(base, EW)])
    pltpu.sync_copy(c2_v, cd2_hbm.at[pl.ds(base, EW)])
    pltpu.sync_copy(agg_v, aggp_hbm.at[pl.ds(wid * NP, NP)])


@jax.jit
def _s1(xt, row, col):
    f = pl.kernel(
        _s1_body,
        out_type=[
            jax.ShapeDtypeStruct((EP,), jnp.float32),
            jax.ShapeDtypeStruct((EP,), jnp.float32),
            jax.ShapeDtypeStruct((EP,), jnp.float32),
            jax.ShapeDtypeStruct((EP,), jnp.float32),
            jax.ShapeDtypeStruct((NW * NP,), jnp.float32),
        ],
        mesh=_MESH,
        compiler_params=_SC_PARAMS,
        scratch_types=[
            pltpu.VMEM((3 * NP,), jnp.float32),
            pltpu.VMEM((EW,), jnp.int32),
            pltpu.VMEM((EW,), jnp.int32),
            pltpu.VMEM((EW,), jnp.float32),
            pltpu.VMEM((EW,), jnp.float32),
            pltpu.VMEM((EW,), jnp.float32),
            pltpu.VMEM((EW,), jnp.float32),
            pltpu.VMEM((NP,), jnp.float32),
            pltpu.SemaphoreType.DMA,
        ],
    )
    return f(xt, row, col)


NBUF = 3
G = 5
EPG = EP // G
EWG = EPG // NW
NCHG = EWG // SC_CHUNK


def _make_s2_body(g):
    def body(a_hbm, b_hbm, row_hbm, col_hbm, z_hbm, row_v, col_v,
             *bufs_and_sems):
        z_v = bufs_and_sems[0:NBUF]
        sa = bufs_and_sems[NBUF:2 * NBUF]
        sb = bufs_and_sems[2 * NBUF:3 * NBUF]
        so = bufs_and_sems[3 * NBUF:4 * NBUF]
        lbase = _wid() * EWG
        gbase = g * EPG + lbase
        pltpu.sync_copy(row_hbm.at[pl.ds(gbase, EWG)], row_v)
        pltpu.sync_copy(col_hbm.at[pl.ds(gbase, EWG)], col_v)
        da, db, do_ = {}, {}, {}

        def start_a(k):
            j = k % NBUF
            ra = row_v.at[pl.ds(k * SC_CHUNK, SC_CHUNK)]
            da[k] = pltpu.async_copy(a_hbm.at[ra], z_v[j], sa[j])

        for k in range(min(NBUF, NCHG)):
            start_a(k)
        for k in range(NCHG):
            j = k % NBUF
            da[k].wait()
            rb = col_v.at[pl.ds(k * SC_CHUNK, SC_CHUNK)]
            db[k] = pltpu.async_copy(b_hbm.at[rb], z_v[j], sb[j], add=True)
            db[k].wait()
            do_[k] = pltpu.async_copy(
                z_v[j], z_hbm.at[pl.ds(lbase + k * SC_CHUNK, SC_CHUNK)],
                so[j])
            if k + NBUF < NCHG:
                do_[k].wait()
                start_a(k + NBUF)
        for k in range(max(0, NCHG - NBUF), NCHG):
            do_[k].wait()
    return body


def _s2(a, b, row, col, g):
    f = pl.kernel(
        _make_s2_body(g),
        out_type=jax.ShapeDtypeStruct((EPG, D), jnp.float32),
        mesh=_MESH,
        compiler_params=_SC_PARAMS,
        scratch_types=(
            [pltpu.VMEM((EWG,), jnp.int32)] * 2
            + [pltpu.VMEM((SC_CHUNK, D), jnp.float32)] * NBUF
            + [pltpu.SemaphoreType.DMA] * (3 * NBUF)
        ),
    )
    return f(a, b, row, col)


def _s3_body(t_hbm, cd0_hbm, cd1_hbm, cd2_hbm, row_hbm, tp_hbm,
             t_v, c0_v, c1_v, c2_v, row_v, a0_v, a1_v, a2_v, sem):
    wid = _wid()
    base = wid * EW
    pltpu.sync_copy(t_hbm.at[pl.ds(base, EW)], t_v)
    pltpu.sync_copy(cd0_hbm.at[pl.ds(base, EW)], c0_v)
    pltpu.sync_copy(cd1_hbm.at[pl.ds(base, EW)], c1_v)
    pltpu.sync_copy(cd2_hbm.at[pl.ds(base, EW)], c2_v)
    pltpu.sync_copy(row_hbm.at[pl.ds(base, EW)], row_v)

    acc_refs = (a0_v, a1_v, a2_v)
    cd_refs = (c0_v, c1_v, c2_v)

    def zero(i, c):
        for j in range(3):
            acc_refs[j][pl.ds(i * 16, 16)] = jnp.zeros((16,), jnp.float32)
        return c
    lax.fori_loop(0, NP // 16, zero, 0)

    def body(g, c):
        sl = pl.ds(g * 16, 16)
        r = row_v[sl]
        tv = t_v[sl]
        for j in range(3):
            plsc.addupdate_scatter(acc_refs[j], [r], cd_refs[j][sl] * tv)
        return c
    lax.fori_loop(0, EW // 16, body, 0)

    for j in range(3):
        pltpu.sync_copy(acc_refs[j],
                        tp_hbm.at[pl.ds((j * NW + wid) * NP, NP)])


@jax.jit
def _s3(t, cd0, cd1, cd2, row):
    f = pl.kernel(
        _s3_body,
        out_type=jax.ShapeDtypeStruct((3 * NW * NP,), jnp.float32),
        mesh=_MESH,
        compiler_params=_SC_PARAMS,
        scratch_types=[
            pltpu.VMEM((EW,), jnp.float32),
            pltpu.VMEM((EW,), jnp.float32),
            pltpu.VMEM((EW,), jnp.float32),
            pltpu.VMEM((EW,), jnp.float32),
            pltpu.VMEM((EW,), jnp.int32),
            pltpu.VMEM((NP,), jnp.float32),
            pltpu.VMEM((NP,), jnp.float32),
            pltpu.VMEM((NP,), jnp.float32),
            pltpu.SemaphoreType.DMA,
        ],
    )
    return f(t, cd0, cd1, cd2, row)


def _t1_body(h_ref, aggt_ref, n1h_ref, n1a_ref, n1b_ref, n2w_ref, n2b_ref,
             c1a_ref, c1b_ref, c1bias_ref, hn_ref, a_ref, b_ref):
    hv = h_ref[...]
    agg = jnp.sum(aggt_ref[...], axis=1, keepdims=True) * 0.01
    z = (jnp.dot(hv, n1h_ref[...], preferred_element_type=jnp.float32)
         + agg * n1a_ref[...] + n1b_ref[...])
    u = _silu(z)
    hn = jnp.dot(u, n2w_ref[...], preferred_element_type=jnp.float32) \
        + n2b_ref[...]
    hnew = hv + hn
    hn_ref[...] = hnew
    a_ref[...] = (jnp.dot(hnew, c1a_ref[...],
                          preferred_element_type=jnp.float32)
                  + c1bias_ref[...])
    b_ref[...] = jnp.dot(hnew, c1b_ref[...],
                         preferred_element_type=jnp.float32)


@jax.jit
def _t1(h, aggt, n1h, n1a, n1b, n2w, n2b, c1a, c1b, c1bias):
    grid = (NP // NB,)
    return pl.pallas_call(
        _t1_body,
        grid=grid,
        in_specs=[
            pl.BlockSpec((NB, D), lambda i: (i, 0)),
            pl.BlockSpec((NB, NW), lambda i: (i, 0)),
            pl.BlockSpec((D, D), lambda i: (0, 0)),
            pl.BlockSpec((1, D), lambda i: (0, 0)),
            pl.BlockSpec((1, D), lambda i: (0, 0)),
            pl.BlockSpec((D, D), lambda i: (0, 0)),
            pl.BlockSpec((1, D), lambda i: (0, 0)),
            pl.BlockSpec((D, D), lambda i: (0, 0)),
            pl.BlockSpec((D, D), lambda i: (0, 0)),
            pl.BlockSpec((1, D), lambda i: (0, 0)),
        ],
        out_specs=[
            pl.BlockSpec((NB, D), lambda i: (i, 0)),
            pl.BlockSpec((NB, D), lambda i: (i, 0)),
            pl.BlockSpec((NB, D), lambda i: (i, 0)),
        ],
        out_shape=[
            jax.ShapeDtypeStruct((NP, D), jnp.float32),
            jax.ShapeDtypeStruct((NP, D), jnp.float32),
            jax.ShapeDtypeStruct((NP, D), jnp.float32),
        ],
    )(h, aggt, n1h, n1a, n1b, n2w, n2b, c1a, c1b, c1bias)


EBP = EB // 128


def _t2_body(z_ref, rad_ref, dorg_ref, eye16_ref, eye128_ref,
             wd_ref, wo_ref, w2_ref, b2_ref, w3_ref, t_ref):
    eye16 = eye16_ref[...]
    eye128 = eye128_ref[...]
    esel = jnp.broadcast_to(eye16[:, None, :], (EBP, 128, EBP))         .reshape(EB, EBP)
    eselt = jnp.broadcast_to(eye16[:, :, None], (EBP, EBP, 128))         .reshape(EBP, EB)
    m = jnp.broadcast_to(eye128[None, :, :], (EBP, 128, 128))         .reshape(EB, 128)
    ones_col = jnp.ones((128, 1), jnp.float32)
    rad = jnp.dot(jnp.dot(esel, rad_ref[...],
                          preferred_element_type=jnp.float32) * m,
                  ones_col, preferred_element_type=jnp.float32)
    dorg = jnp.dot(jnp.dot(esel, dorg_ref[...],
                           preferred_element_type=jnp.float32) * m,
                   ones_col, preferred_element_type=jnp.float32)
    z = z_ref[...] + rad * wd_ref[...] + dorg * wo_ref[...]
    u = _silu(z)
    v = _silu(jnp.dot(u, w2_ref[...], preferred_element_type=jnp.float32)
              + b2_ref[...])
    s = jnp.dot(v, w3_ref[...], preferred_element_type=jnp.float32)
    t = COORD_RANGE * jnp.tanh(s) / (jnp.sqrt(rad + 1e-8) + 1.0)
    t_ref[...] = jnp.dot(eselt, t * m, preferred_element_type=jnp.float32)


def _t2(z, rad, dorg, eye16, eye128, wd, wo, w2, b2, w3):
    grid = (EPG // EB,)
    return pl.pallas_call(
        _t2_body,
        grid=grid,
        in_specs=[
            pl.BlockSpec((EB, D), lambda i: (i, 0)),
            pl.BlockSpec((EBP, 128), lambda i: (i, 0)),
            pl.BlockSpec((EBP, 128), lambda i: (i, 0)),
            pl.BlockSpec((EBP, EBP), lambda i: (0, 0)),
            pl.BlockSpec((128, 128), lambda i: (0, 0)),
            pl.BlockSpec((1, D), lambda i: (0, 0)),
            pl.BlockSpec((1, D), lambda i: (0, 0)),
            pl.BlockSpec((D, D), lambda i: (0, 0)),
            pl.BlockSpec((1, D), lambda i: (0, 0)),
            pl.BlockSpec((D, 1), lambda i: (0, 0)),
        ],
        out_specs=pl.BlockSpec((EBP, 128), lambda i: (i, 0)),
        out_shape=jax.ShapeDtypeStruct((EPG // 128, 128), jnp.float32),
    )(z, rad, dorg, eye16, eye128, wd, wo, w2, b2, w3)


def _tx_body(xt_ref, tp_ref, xo_ref):
    s = jnp.sum(tp_ref[...], axis=1)
    xo_ref[...] = xt_ref[...] + s * 0.01


@jax.jit
def _tx(xt, tp):
    grid = (NP // NB,)
    return pl.pallas_call(
        _tx_body,
        grid=grid,
        in_specs=[
            pl.BlockSpec((3, NB), lambda i: (0, i)),
            pl.BlockSpec((3, NW, NB), lambda i: (0, 0, i)),
        ],
        out_specs=pl.BlockSpec((3, NB), lambda i: (0, i)),
        out_shape=jax.ShapeDtypeStruct((3, NP), jnp.float32),
    )(xt, tp)


@jax.jit
def _impl(h, x, distance_org, edge_index, node1_w, node1_b, node2_w,
          node2_b, cor1_w, cor1_b, cor2_w, cor2_b, cor3_w):
    row = jnp.pad(edge_index[0], (0, EP - E), constant_values=SINK)
    col = jnp.pad(edge_index[1], (0, EP - E), constant_values=SINK)
    dorg = jnp.pad(distance_org[:, 0], (0, EP - E)).reshape(EP // 128, 128)
    xt = jnp.pad(x.T, ((0, 0), (0, NP - N)))
    hp = jnp.pad(h, ((0, NP - N), (0, 0)))
    eye16 = jnp.eye(EB // 128, dtype=jnp.float32)
    eye128 = jnp.eye(128, dtype=jnp.float32)
    for l in range(L):
        rad, cd0, cd1, cd2, aggp = _s1(xt.reshape(3 * NP), row, col)
        aggt = jnp.transpose(aggp.reshape(NW, NP))
        w1 = cor1_w[l]
        hp, a, b = _t1(hp, aggt, node1_w[l][:D], node1_w[l][D:D + 1],
                       node1_b[l].reshape(1, D), node2_w[l],
                       node2_b[l].reshape(1, D), w1[:D], w1[D:2 * D],
                       cor1_b[l].reshape(1, D))
        radp = rad.reshape(EP // 128, 128)
        rpg = EPG // 128
        ts = []
        for g in range(G):
            zg = _s2(a, b, row, col, g)
            ts.append(_t2(zg, radp[g * rpg:(g + 1) * rpg],
                          dorg[g * rpg:(g + 1) * rpg], eye16, eye128,
                          w1[2 * D:2 * D + 1], w1[2 * D + 1:2 * D + 2],
                          cor2_w[l], cor2_b[l].reshape(1, D), cor3_w[l]))
        t = jnp.concatenate(ts, axis=0)
        tp = _s3(t.reshape(EP), cd0, cd1, cd2, row)
        xt = _tx(xt, tp.reshape(3, NW, NP))
    return hp[:N], xt[:, :N].T


def kernel(h, x, distance_org, edge_index, edg1_w, edg1_b, edg2_w, edg2_b,
           edgi_w, edgi_b, node1_w, node1_b, node2_w, node2_b, cor1_w,
           cor1_b, cor2_w, cor2_b, cor3_w):
    return _impl(h, x, distance_org, edge_index, node1_w, node1_b,
                 node2_w, node2_b, cor1_w, cor1_b, cor2_w, cor2_b, cor3_w)

# --- scband reference (transcript-rebuilt; emitter-appended) ---
"""Pipeline reference for scband-equivariant-network-24833500905737 (READ-ONLY COPY).

The authoritative reference and input builder live on the scoring server;
editing this copy changes nothing except your own understanding.
"""

import jax, jax.numpy as jnp
import numpy as np

N = 10000
E = 160000
D = 128
L = 2
COORD_RANGE = 12.0 / L


def _lin(key, fi, fo):
    return jax.random.normal(key, (fi, fo), dtype=jnp.float32) / np.sqrt(fi)


def setup_inputs(seed: int = 0):
    key = jax.random.key(seed)
    ks = jax.random.split(key, 40)
    inp = {}
    inp["h"] = jax.random.normal(ks[0], (N, D), dtype=jnp.float32)
    inp["x"] = jax.random.normal(ks[1], (N, 3), dtype=jnp.float32)
    inp["distance_org"] = jax.random.uniform(ks[2], (E, 1), dtype=jnp.float32)
    inp["edge_index"] = jax.random.randint(ks[3], (2, E), 0, N, dtype=jnp.int32)
    inp["edg1_w"] = jnp.stack([_lin(ks[4 + l], 2 * D + 1, D) for l in range(L)])
    inp["edg1_b"] = jnp.zeros((L, D), dtype=jnp.float32)
    inp["edg2_w"] = jnp.stack([_lin(ks[8 + l], D, D) for l in range(L)])
    inp["edg2_b"] = jnp.zeros((L, D), dtype=jnp.float32)
    inp["edgi_w"] = jnp.stack([_lin(ks[12 + l], D, 1) for l in range(L)])
    inp["edgi_b"] = jnp.zeros((L, 1), dtype=jnp.float32)
    inp["node1_w"] = jnp.stack([_lin(ks[16 + l], D + 1, D) for l in range(L)])
    inp["node1_b"] = jnp.zeros((L, D), dtype=jnp.float32)
    inp["node2_w"] = jnp.stack([_lin(ks[20 + l], D, D) for l in range(L)])
    inp["node2_b"] = jnp.zeros((L, D), dtype=jnp.float32)
    inp["cor1_w"] = jnp.stack([_lin(ks[24 + l], 2 * D + 2, D) for l in range(L)])
    inp["cor1_b"] = jnp.zeros((L, D), dtype=jnp.float32)
    inp["cor2_w"] = jnp.stack([_lin(ks[28 + l], D, D) for l in range(L)])
    inp["cor2_b"] = jnp.zeros((L, D), dtype=jnp.float32)
    inp["cor3_w"] = jnp.stack([_lin(ks[32 + l], D, 1) for l in range(L)])
    return inp


def _silu(v):
    return v * jax.nn.sigmoid(v)


def _seg_sum(data, ids, num):
    return jax.ops.segment_sum(data, ids, num_segments=num) / 100.0


def reference(h, x, distance_org, edge_index, edg1_w, edg1_b, edg2_w, edg2_b, edgi_w, edgi_b, node1_w, node1_b, node2_w, node2_b, cor1_w, cor1_b, cor2_w, cor2_b, cor3_w):
    row = edge_index[0]
    col = edge_index[1]
    n = h.shape[0]
    for l in range(L):
        # coord2diff (norm_constant=1)
        coord_diff = x[row] - x[col]
        radial = jnp.sum(coord_diff ** 2, axis=1, keepdims=True)
        norm = jnp.sqrt(radial + 1e-08)
        coord_diff = coord_diff / (norm + 1.0)
        distances = radial
        # GCL: edge_operation + edge_inference (edge_feat computed as in torch, unused downstream)
        ef = jnp.concatenate([h[row], h[col], distances], axis=1)
        ef = _silu(ef @ edg1_w[l] + edg1_b[l])
        ef = _silu(ef @ edg2_w[l] + edg2_b[l])
        ef = jax.nn.sigmoid(ef @ edgi_w[l] + edgi_b[l]) * ef
        # aggregation uses distances (as in the torch source), normalized by /100
        agg = _seg_sum(distances, row, n)
        hn = jnp.concatenate([h, agg], axis=-1)
        hn = _silu(hn @ node1_w[l] + node1_b[l])
        hn = hn @ node2_w[l] + node2_b[l]
        h = h + hn
        # EQUpdate coordinate update
        ci = jnp.concatenate([h[row], h[col], distances, distance_org], axis=1)
        ci = _silu(ci @ cor1_w[l] + cor1_b[l])
        ci = _silu(ci @ cor2_w[l] + cor2_b[l])
        ci = ci @ cor3_w[l]
        trans = coord_diff * jnp.tanh(ci) * COORD_RANGE
        x = x + _seg_sum(trans, row, n)
    return (h, x)

if __name__ == "__main__":
    import jax
    _d = setup_inputs()
    print(jax.jit(kernel)(*tuple(_d.values())))

</pallas_src>

<mosaic_0001>
#map = affine_map<(d0, d1) -> (0)>
module attributes {stable_mosaic.version = 14 : i64} {
  func.func @_s1_body(%arg0: i32, %arg1: i32, %arg2: memref<30720xf32, #tpu.memory_space<hbm>>, %arg3: memref<163840xi32, #tpu.memory_space<hbm>>, %arg4: memref<163840xi32, #tpu.memory_space<hbm>>, %arg5: memref<163840xf32, #tpu.memory_space<hbm>>, %arg6: memref<163840xf32, #tpu.memory_space<hbm>>, %arg7: memref<163840xf32, #tpu.memory_space<hbm>>, %arg8: memref<163840xf32, #tpu.memory_space<hbm>>, %arg9: memref<327680xf32, #tpu.memory_space<hbm>>, %arg10: memref<30720xf32, #tpu.memory_space<vmem>>, %arg11: memref<5120xi32, #tpu.memory_space<vmem>>, %arg12: memref<5120xi32, #tpu.memory_space<vmem>>, %arg13: memref<5120xf32, #tpu.memory_space<vmem>>, %arg14: memref<5120xf32, #tpu.memory_space<vmem>>, %arg15: memref<5120xf32, #tpu.memory_space<vmem>>, %arg16: memref<5120xf32, #tpu.memory_space<vmem>>, %arg17: memref<10240xf32, #tpu.memory_space<vmem>>, %arg18: memref<!tpu.dma_semaphore, #tpu.memory_space<semaphore_mem>>) attributes {dimension_semantics = [#tpu.dimension_semantics<core_parallel>, #tpu.dimension_semantics<subcore_parallel>], iteration_bounds = array<i64: 2, 16>, scalar_prefetch = 0 : i64, scratch_operands = 9 : i64, tpu.core_type = #tpu.core_type<sc_vector_subcore>, window_params = [{transform_indices = #map}, {transform_indices = #map}, {transform_indices = #map}, {transform_indices = #map}, {transform_indices = #map}, {transform_indices = #map}, {transform_indices = #map}, {transform_indices = #map}]} {
    %mul3A = arith.constant 2 : i32
    %mul3A_0 = arith.muli %arg1, %mul3A : i32
    %add3A = arith.addi %mul3A_0, %arg0 : i32
    %mul3A_1 = arith.constant 5120 : i32
    %mul3A_2 = arith.muli %add3A, %mul3A_1 : i32
    "tpu.region"() ({
      %run_scoped3A = tpu.sem_alloc : memref<!tpu.dma_semaphore, #tpu.memory_space<semaphore_mem>>
      tpu.enqueue_dma source(%arg2 : memref<30720xf32, #tpu.memory_space<hbm>>) target(%arg10 : memref<30720xf32, #tpu.memory_space<vmem>>) target_semaphore(%run_scoped3A : memref<!tpu.dma_semaphore, #tpu.memory_space<semaphore_mem>>)
      tpu.wait_dma2 semaphore(%run_scoped3A : memref<!tpu.dma_semaphore, #tpu.memory_space<semaphore_mem>>) src(%arg2 : memref<30720xf32, #tpu.memory_space<hbm>>) dst(%arg10 : memref<30720xf32, #tpu.memory_space<vmem>>)
      tpu.yield
    }) : () -> ()
    "tpu.region"() ({
      %run_scoped3A = tpu.sem_alloc : memref<!tpu.dma_semaphore, #tpu.memory_space<semaphore_mem>>
      %dma_start3A = tpu.memref_slice %arg3[%mul3A_2] : memref<163840xi32, #tpu.memory_space<hbm>> -> memref<5120xi32, #tpu.memory_space<hbm>>
      %dma_start3A_16 = tpu.memref_slice %arg3[%mul3A_2] : memref<163840xi32, #tpu.memory_space<hbm>> -> memref<5120xi32, #tpu.memory_space<hbm>>
      tpu.enqueue_dma source(%dma_start3A_16 : memref<5120xi32, #tpu.memory_space<hbm>>) target(%arg11 : memref<5120xi32, #tpu.memory_space<vmem>>) target_semaphore(%run_scoped3A : memref<!tpu.dma_semaphore, #tpu.memory_space<semaphore_mem>>)
      %dma_wait3A = tpu.memref_slice %arg3[%mul3A_2] : memref<163840xi32, #tpu.memory_space<hbm>> -> memref<5120xi32, #tpu.memory_space<hbm>>
      %dma_wait3A_17 = tpu.memref_slice %arg3[%mul3A_2] : memref<163840xi32, #tpu.memory_space<hbm>> -> memref<5120xi32, #tpu.memory_space<hbm>>
      tpu.wait_dma2 semaphore(%run_scoped3A : memref<!tpu.dma_semaphore, #tpu.memory_space<semaphore_mem>>) src(%dma_wait3A_17 : memref<5120xi32, #tpu.memory_space<hbm>>) dst(%arg11 : memref<5120xi32, #tpu.memory_space<vmem>>)
      tpu.yield
    }) : () -> ()
    "tpu.region"() ({
      %run_scoped3A = tpu.sem_alloc : memref<!tpu.dma_semaphore, #tpu.memory_space<semaphore_mem>>
      %dma_start3A = tpu.memref_slice %arg4[%mul3A_2] : memref<163840xi32, #tpu.memory_space<hbm>> -> memref<5120xi32, #tpu.memory_space<hbm>>
      %dma_start3A_16 = tpu.memref_slice %arg4[%mul3A_2] : memref<163840xi32, #tpu.memory_space<hbm>> -> memref<5120xi32, #tpu.memory_space<hbm>>
      tpu.enqueue_dma source(%dma_start3A_16 : memref<5120xi32, #tpu.memory_space<hbm>>) target(%arg12 : memref<5120xi32, #tpu.memory_space<vmem>>) target_semaphore(%run_scoped3A : memref<!tpu.dma_semaphore, #tpu.memory_space<semaphore_mem>>)
      %dma_wait3A = tpu.memref_slice %arg4[%mul3A_2] : memref<163840xi32, #tpu.memory_space<hbm>> -> memref<5120xi32, #tpu.memory_space<hbm>>
      %dma_wait3A_17 = tpu.memref_slice %arg4[%mul3A_2] : memref<163840xi32, #tpu.memory_space<hbm>> -> memref<5120xi32, #tpu.memory_space<hbm>>
      tpu.wait_dma2 semaphore(%run_scoped3A : memref<!tpu.dma_semaphore, #tpu.memory_space<semaphore_mem>>) src(%dma_wait3A_17 : memref<5120xi32, #tpu.memory_space<hbm>>) dst(%arg12 : memref<5120xi32, #tpu.memory_space<vmem>>)
      tpu.yield
    }) : () -> ()
    %scan3A = arith.constant 0 : i32
    %scan3A_3 = arith.constant 0 : i32
    %scan3A_4 = arith.constant 640 : i32
    %scan3A_5 = arith.addi %scan3A_3, %scan3A_4 : i32
    %scan3A_6 = arith.constant 1 : i32
    scf.for %scan3A_16 = %scan3A_3 to %scan3A_5 step %scan3A_6  : i32 {
      %broadcast_in_dim3A = arith.constant 0.000000e+00 : f32
      %broadcast_in_dim3A_17 = vector.broadcast %broadcast_in_dim3A : f32 to vector<16xf32>
      %mul3A_18 = arith.constant 16 : i32
      %mul3A_19 = arith.muli %scan3A_16, %mul3A_18 : i32
      %swap3A = arith.index_cast %mul3A_19 : i32 to index
      %swap3A_20 = tpu.vector_load %arg17[%swap3A] {strides = array<i32>} : memref<10240xf32, #tpu.memory_space<vmem>>, vector<16xf32>,
      tpu.vector_store %arg17[%swap3A], %broadcast_in_dim3A_17 {strides = array<i32>} : memref<10240xf32, #tpu.memory_space<vmem>>, vector<16xf32>,
    }
    %scan3A_7 = arith.constant 640 : i32
    %scan3A_8 = arith.constant 0 : i32
    %scan3A_9 = arith.constant 0 : i32
    %scan3A_10 = arith.constant 320 : i32
    %scan3A_11 = arith.addi %scan3A_9, %scan3A_10 : i32
    %scan3A_12 = arith.constant 1 : i32
    scf.for %scan3A_16 = %scan3A_9 to %scan3A_11 step %scan3A_12  : i32 {
      %mul3A_17 = arith.constant 16 : i32
      %mul3A_18 = arith.muli %scan3A_16, %mul3A_17 : i32
      %get3A = arith.index_cast %mul3A_18 : i32 to index
      %get3A_19 = tpu.vector_load %arg11[%get3A] {strides = array<i32>} : memref<5120xi32, #tpu.memory_space<vmem>>, vector<16xi32>,
      %get3A_20 = arith.index_cast %mul3A_18 : i32 to index
      %get3A_21 = tpu.vector_load %arg12[%get3A_20] {strides = array<i32>} : memref<5120xi32, #tpu.memory_space<vmem>>, vector<16xi32>,
      %broadcast_in_dim3A = arith.constant 0.000000e+00 : f32
      %broadcast_in_dim3A_22 = vector.broadcast %broadcast_in_dim3A : f32 to vector<16xf32>
      %add3A_23 = arith.constant 0 : i32
      %add3A_24 = vector.broadcast %add3A_23 : i32 to vector<16xi32>
      %add3A_25 = arith.addi %get3A_19, %add3A_24 : vector<16xi32>
      %gather3A = tpu.vector_load_idx %arg10[%add3A_25] : memref<30720xf32, #tpu.memory_space<vmem>>[vector<16xi32>], vector<16xf32>,
      %add3A_26 = arith.constant 0 : i32
      %add3A_27 = vector.broadcast %add3A_26 : i32 to vector<16xi32>
      %add3A_28 = arith.addi %get3A_21, %add3A_27 : vector<16xi32>
      %gather3A_29 = tpu.vector_load_idx %arg10[%add3A_28] : memref<30720xf32, #tpu.memory_space<vmem>>[vector<16xi32>], vector<16xf32>,
      %sub3A = arith.subf %gather3A, %gather3A_29 : vector<16xf32>
      %swap3A = arith.index_cast %mul3A_18 : i32 to index
      %swap3A_30 = tpu.vector_load %arg14[%swap3A] {strides = array<i32>} : memref<5120xf32, #tpu.memory_space<vmem>>, vector<16xf32>,
      tpu.vector_store %arg14[%swap3A], %sub3A {strides = array<i32>} : memref<5120xf32, #tpu.memory_space<vmem>>, vector<16xf32>,
      %mul3A_31 = arith.mulf %sub3A, %sub3A : vector<16xf32>
      %add3A_32 = arith.addf %broadcast_in_dim3A_22, %mul3A_31 : vector<16xf32>
      %add3A_33 = arith.constant 10240 : i32
      %add3A_34 = vector.broadcast %add3A_33 : i32 to vector<16xi32>
      %add3A_35 = arith.addi %get3A_19, %add3A_34 : vector<16xi32>
      %gather3A_36 = tpu.vector_load_idx %arg10[%add3A_35] : memref<30720xf32, #tpu.memory_space<vmem>>[vector<16xi32>], vector<16xf32>,
      %add3A_37 = arith.constant 10240 : i32
      %add3A_38 = vector.broadcast %add3A_37 : i32 to vector<16xi32>
      %add3A_39 = arith.addi %get3A_21, %add3A_38 : vector<16xi32>
      %gather3A_40 = tpu.vector_load_idx %arg10[%add3A_39] : memref<30720xf32, #tpu.memory_space<vmem>>[vector<16xi32>], vector<16xf32>,
      %sub3A_41 = arith.subf %gather3A_36, %gather3A_40 : vector<16xf32>
      %swap3A_42 = arith.index_cast %mul3A_18 : i32 to index
      %swap3A_43 = tpu.vector_load %arg15[%swap3A_42] {strides = array<i32>} : memref<5120xf32, #tpu.memory_space<vmem>>, vector<16xf32>,
      tpu.vector_store %arg15[%swap3A_42], %sub3A_41 {strides = array<i32>} : memref<5120xf32, #tpu.memory_space<vmem>>, vector<16xf32>,
      %mul3A_44 = arith.mulf %sub3A_41, %sub3A_41 : vector<16xf32>
      %add3A_45 = arith.addf %add3A_32, %mul3A_44 : vector<16xf32>
      %add3A_46 = arith.constant 20480 : i32
      %add3A_47 = vector.broadcast %add3A_46 : i32 to vector<16xi32>
      %add3A_48 = arith.addi %get3A_19, %add3A_47 : vector<16xi32>
      %gather3A_49 = tpu.vector_load_idx %arg10[%add3A_48] : memref<30720xf32, #tpu.memory_space<vmem>>[vector<16xi32>], vector<16xf32>,
      %add3A_50 = arith.constant 20480 : i32
      %add3A_51 = vector.broadcast %add3A_50 : i32 to vector<16xi32>
      %add3A_52 = arith.addi %get3A_21, %add3A_51 : vector<16xi32>
      %gather3A_53 = tpu.vector_load_idx %arg10[%add3A_52] : memref<30720xf32, #tpu.memory_space<vmem>>[vector<16xi32>], vector<16xf32>,
      %sub3A_54 = arith.subf %gather3A_49, %gather3A_53 : vector<16xf32>
      %swap3A_55 = arith.index_cast %mul3A_18 : i32 to index
      %swap3A_56 = tpu.vector_load %arg16[%swap3A_55] {strides = array<i32>} : memref<5120xf32, #tpu.memory_space<vmem>>, vector<16xf32>,
      tpu.vector_store %arg16[%swap3A_55], %sub3A_54 {strides = array<i32>} : memref<5120xf32, #tpu.memory_space<vmem>>, vector<16xf32>,
      %mul3A_57 = arith.mulf %sub3A_54, %sub3A_54 : vector<16xf32>
      %add3A_58 = arith.addf %add3A_45, %mul3A_57 : vector<16xf32>
      %swap3A_59 = arith.index_cast %mul3A_18 : i32 to index
      %swap3A_60 = tpu.vector_load %arg13[%swap3A_59] {strides = array<i32>} : memref<5120xf32, #tpu.memory_space<vmem>>, vector<16xf32>,
      tpu.vector_store %arg13[%swap3A_59], %add3A_58 {strides = array<i32>} : memref<5120xf32, #tpu.memory_space<vmem>>, vector<16xf32>,
      tpu.vector_store_idx %arg17[%get3A_19], %add3A_58 {add = true} : memref<10240xf32, #tpu.memory_space<vmem>>[vector<16xi32>], vector<16xf32>,
    }
    %scan3A_13 = arith.constant 320 : i32
    "tpu.region"() ({
      %run_scoped3A = tpu.sem_alloc : memref<!tpu.dma_semaphore, #tpu.memory_space<semaphore_mem>>
      %dma_start3A = tpu.memref_slice %arg5[%mul3A_2] : memref<163840xf32, #tpu.memory_space<hbm>> -> memref<5120xf32, #tpu.memory_space<hbm>>
      %dma_start3A_16 = tpu.memref_slice %arg5[%mul3A_2] : memref<163840xf32, #tpu.memory_space<hbm>> -> memref<5120xf32, #tpu.memory_space<hbm>>
      tpu.enqueue_dma source(%arg13 : memref<5120xf32, #tpu.memory_space<vmem>>) target(%dma_start3A_16 : memref<5120xf32, #tpu.memory_space<hbm>>) target_semaphore(%run_scoped3A : memref<!tpu.dma_semaphore, #tpu.memory_space<semaphore_mem>>)
      %dma_wait3A = tpu.memref_slice %arg5[%mul3A_2] : memref<163840xf32, #tpu.memory_space<hbm>> -> memref<5120xf32, #tpu.memory_space<hbm>>
      %dma_wait3A_17 = tpu.memref_slice %arg5[%mul3A_2] : memref<163840xf32, #tpu.memory_space<hbm>> -> memref<5120xf32, #tpu.memory_space<hbm>>
      tpu.wait_dma2 semaphore(%run_scoped3A : memref<!tpu.dma_semaphore, #tpu.memory_space<semaphore_mem>>) src(%arg13 : memref<5120xf32, #tpu.memory_space<vmem>>) dst(%dma_wait3A_17 : memref<5120xf32, #tpu.memory_space<hbm>>)
      tpu.yield
    }) : () -> ()
    "tpu.region"() ({
      %run_scoped3A = tpu.sem_alloc : memref<!tpu.dma_semaphore, #tpu.memory_space<semaphore_mem>>
      %dma_start3A = tpu.memref_slice %arg6[%mul3A_2] : memref<163840xf32, #tpu.memory_space<hbm>> -> memref<5120xf32, #tpu.memory_space<hbm>>
      %dma_start3A_16 = tpu.memref_slice %arg6[%mul3A_2] : memref<163840xf32, #tpu.memory_space<hbm>> -> memref<5120xf32, #tpu.memory_space<hbm>>
      tpu.enqueue_dma source(%arg14 : memref<5120xf32, #tpu.memory_space<vmem>>) target(%dma_start3A_16 : memref<5120xf32, #tpu.memory_space<hbm>>) target_semaphore(%run_scoped3A : memref<!tpu.dma_semaphore, #tpu.memory_space<semaphore_mem>>)
      %dma_wait3A = tpu.memref_slice %arg6[%mul3A_2] : memref<163840xf32, #tpu.memory_space<hbm>> -> memref<5120xf32, #tpu.memory_space<hbm>>
      %dma_wait3A_17 = tpu.memref_slice %arg6[%mul3A_2] : memref<163840xf32, #tpu.memory_space<hbm>> -> memref<5120xf32, #tpu.memory_space<hbm>>
      tpu.wait_dma2 semaphore(%run_scoped3A : memref<!tpu.dma_semaphore, #tpu.memory_space<semaphore_mem>>) src(%arg14 : memref<5120xf32, #tpu.memory_space<vmem>>) dst(%dma_wait3A_17 : memref<5120xf32, #tpu.memory_space<hbm>>)
      tpu.yield
    }) : () -> ()
    "tpu.region"() ({
      %run_scoped3A = tpu.sem_alloc : memref<!tpu.dma_semaphore, #tpu.memory_space<semaphore_mem>>
      %dma_start3A = tpu.memref_slice %arg7[%mul3A_2] : memref<163840xf32, #tpu.memory_space<hbm>> -> memref<5120xf32, #tpu.memory_space<hbm>>
      %dma_start3A_16 = tpu.memref_slice %arg7[%mul3A_2] : memref<163840xf32, #tpu.memory_space<hbm>> -> memref<5120xf32, #tpu.memory_space<hbm>>
      tpu.enqueue_dma source(%arg15 : memref<5120xf32, #tpu.memory_space<vmem>>) target(%dma_start3A_16 : memref<5120xf32, #tpu.memory_space<hbm>>) target_semaphore(%run_scoped3A : memref<!tpu.dma_semaphore, #tpu.memory_space<semaphore_mem>>)
      %dma_wait3A = tpu.memref_slice %arg7[%mul3A_2] : memref<163840xf32, #tpu.memory_space<hbm>> -> memref<5120xf32, #tpu.memory_space<hbm>>
      %dma_wait3A_17 = tpu.memref_slice %arg7[%mul3A_2] : memref<163840xf32, #tpu.memory_space<hbm>> -> memref<5120xf32, #tpu.memory_space<hbm>>
      tpu.wait_dma2 semaphore(%run_scoped3A : memref<!tpu.dma_semaphore, #tpu.memory_space<semaphore_mem>>) src(%arg15 : memref<5120xf32, #tpu.memory_space<vmem>>) dst(%dma_wait3A_17 : memref<5120xf32, #tpu.memory_space<hbm>>)
      tpu.yield
    }) : () -> ()
    "tpu.region"() ({
      %run_scoped3A = tpu.sem_alloc : memref<!tpu.dma_semaphore, #tpu.memory_space<semaphore_mem>>
      %dma_start3A = tpu.memref_slice %arg8[%mul3A_2] : memref<163840xf32, #tpu.memory_space<hbm>> -> memref<5120xf32, #tpu.memory_space<hbm>>
      %dma_start3A_16 = tpu.memref_slice %arg8[%mul3A_2] : memref<163840xf32, #tpu.memory_space<hbm>> -> memref<5120xf32, #tpu.memory_space<hbm>>
      tpu.enqueue_dma source(%arg16 : memref<5120xf32, #tpu.memory_space<vmem>>) target(%dma_start3A_16 : memref<5120xf32, #tpu.memory_space<hbm>>) target_semaphore(%run_scoped3A : memref<!tpu.dma_semaphore, #tpu.memory_space<semaphore_mem>>)
      %dma_wait3A = tpu.memref_slice %arg8[%mul3A_2] : memref<163840xf32, #tpu.memory_space<hbm>> -> memref<5120xf32, #tpu.memory_space<hbm>>
      %dma_wait3A_17 = tpu.memref_slice %arg8[%mul3A_2] : memref<163840xf32, #tpu.memory_space<hbm>> -> memref<5120xf32, #tpu.memory_space<hbm>>
      tpu.wait_dma2 semaphore(%run_scoped3A : memref<!tpu.dma_semaphore, #tpu.memory_space<semaphore_mem>>) src(%arg16 : memref<5120xf32, #tpu.memory_space<vmem>>) dst(%dma_wait3A_17 : memref<5120xf32, #tpu.memory_space<hbm>>)
      tpu.yield
    }) : () -> ()
    %mul3A_14 = arith.constant 10240 : i32
    %mul3A_15 = arith.muli %add3A, %mul3A_14 : i32
    "tpu.region"() ({
      %run_scoped3A = tpu.sem_alloc : memref<!tpu.dma_semaphore, #tpu.memory_space<semaphore_mem>>
      %dma_start3A = tpu.memref_slice %arg9[%mul3A_15] : memref<327680xf32, #tpu.memory_space<hbm>> -> memref<10240xf32, #tpu.memory_space<hbm>>
      %dma_start3A_16 = tpu.memref_slice %arg9[%mul3A_15] : memref<327680xf32, #tpu.memory_space<hbm>> -> memref<10240xf32, #tpu.memory_space<hbm>>
      tpu.enqueue_dma source(%arg17 : memref<10240xf32, #tpu.memory_space<vmem>>) target(%dma_start3A_16 : memref<10240xf32, #tpu.memory_space<hbm>>) target_semaphore(%run_scoped3A : memref<!tpu.dma_semaphore, #tpu.memory_space<semaphore_mem>>)
      %dma_wait3A = tpu.memref_slice %arg9[%mul3A_15] : memref<327680xf32, #tpu.memory_space<hbm>> -> memref<10240xf32, #tpu.memory_space<hbm>>
      %dma_wait3A_17 = tpu.memref_slice %arg9[%mul3A_15] : memref<327680xf32, #tpu.memory_space<hbm>> -> memref<10240xf32, #tpu.memory_space<hbm>>
      tpu.wait_dma2 semaphore(%run_scoped3A : memref<!tpu.dma_semaphore, #tpu.memory_space<semaphore_mem>>) src(%arg17 : memref<10240xf32, #tpu.memory_space<vmem>>) dst(%dma_wait3A_17 : memref<10240xf32, #tpu.memory_space<hbm>>)
      tpu.yield
    }) : () -> ()
    return
  }
}

</mosaic_0001>

<sc_bundles>
// kernel: _s1.3.cloned.1.call-start
scs
__scs_entry_jumppad:
0x0: {  	(pc) =	sbr.rel $0x88, $3  }
0x1: {  	(tag) =	ssettag $0x0;
	lr =	simm.s32 $0x1  }
0x2: {  	[smem:$0x3F9E] =	sst lr;
	_ =	strace $0xD0000000  }
0x3: {  	_ = 	snop  }
0x4: {  	_ = 	snop  }
0x5: {  	_ = 	snop  }
0x6: {  	_ = 	snop  }
0x7: {  	_ = 	snop  }
__scs_overlays_trampoline_lowered:
0x8: {  	[smem:$0x3FAD] =	sst s0  }
0x9: {  	[smem:$0x3FAE] =	sst s1  }
0xa: {  	[smem:$0x3FAF] =	sst s2  }
0xb: {  	[smem:$0x3FB0] =	sst s3  }
0xc: {  	[smem:$0x3FB1] =	sst s4  }
0xd: {  	[smem:$0x3FB2] =	sst s5  }
0xe: {  	[smem:$0x3FB3] =	sst s6  }
0xf: {  	[smem:$0x3FB4] =	sst s7  }
0x10: {  	[smem:$0x3FB5] =	sst s8  }
0x11: {  	[smem:$0x3FB6] =	sst s9;
	s0 =	simm.s32 @!p0 $0x0  }
0x12: {  	s1 =	sld [smem:$0x3F9C];
	s0 =	simm.s32 @p0 $0x1  }
0x13: {  	[smem:$0x3FB7] =	sst s0;
	s0 =	simm.s32 @!p1 $0x0  }
0x14: {  	s2 =	sld [smem:$0x3F9B];
	s0 =	simm.s32 @p1 $0x1  }
0x15: {  	[smem:$0x3FB8] =	sst s0;
	s0 =	simm.s32 @!p2 $0x0  }
0x16: {  	s3 =	sld [smem:$0x3FDB];
	s0 =	simm.s32 @p2 $0x1  }
0x17: {  	s4 =	simm.s32 $0x1BF5;
	[smem:$0x3FBA] =	sst s0  }
0x18: {  	s0 =	sld [smem:$0x3F9D];
	_ =	swait.ge [sflag:s4], $0x0  }
0x19: {  	s7 =	sld [smem:$0x3F9E]  }
0x1a: {  	s8 =	sadd.s32 $0xFFFFE003, lr  }
0x1b: {  	s9 =	sadd.s32 $0xFFFFFEF7, lr;
	s5 =	simm.s32 $0xFFFFFFFF;
	p2 =	slt.u32 s8, $0xFFFFF086  }
0x1c: {  	p1 =	slt.u32 s9, $0xF7A;
	s5 =	simm.s32 @!p2 $0x0  }
0x1d: {  	s5 =	simm.s32 @p1 $0x1;
	p0 =	seq.s32 s7, s2  }
0x1e: {  	s7 =	smul.u32 @!p0 $0xF7A, s2;
	p2 =	seq.s32 @!p0 s5, $0x0  }
0x1f: {  	s9 =	smul.u32 $0xF7A, s1;
	s8 =	simm.s32 @!p0 $0x1BF5;
	p2 =	por !p2, p0  }
0x20: {  	[sflag:s8] =	ssyncset.s32 @!p0 $0xFFFFF086;
	s6 =	sadd.s32 @!p0 s3, s7;
	s7 =	simm.s32 @!p0 $0x108  }
0x21: {  	s3 =	sadd.s32 s3, s9;
	s6 =	sadd.s32 @!p0 $0x88, s6;
	s7 =	simm.s32 @p2 $0x1082  }
0x22: {  	[simem:s7], [sflag:s8] =	dma.local @!p0 [hbm:s6], $0xF7A  }
0x23: {  	s9 =	sor.u32 $0xD0000000, s2;
	s6 =	simm.s32 $0x108;
	_ =	swait.ge @!p0 [sflag:s8], $0x0  }
0x24: {  	s3 =	sadd.s32 $0x88, s3;
	s6 =	simm.s32 @!p1 $0x1082;
	[sflag:s4] =	ssyncset.s32 $0xFFFFF086  }
0x25: {  	[simem:s6], [sflag:s4] =	dma.local [hbm:s3], $0xF7A  }
0x26: {  	[smem:$0x3F9E] =	sst s1;
	(tag) =	ssettag s2;
	_ =	strace s9  }
0x27: {  	s1 =	sld [smem:$0x3FAE]  }
0x28: {  	s2 =	sld [smem:$0x3FAF]  }
0x29: {  	s4 =	sld [smem:$0x3FB1]  }
0x2a: {  	p0 =	seq.s32 s5, $0x0;
	s5 =	sld [smem:$0x3FB2]  }
0x2b: {  	s6 =	sld [smem:$0x3FB3]  }
0x2c: {  	s7 =	sld [smem:$0x3FB4]  }
0x2d: {  	s3 =	simm.s32 $0x108;
	s8 =	sld [smem:$0x3FB5]  }
0x2e: {  	s3 =	simm.s32 @!p0 $0x1082;
	s9 =	sld [smem:$0x3FB6]  }
0x2f: {  	lr =	sadd.s32 s0, s3;
	s0 =	sld [smem:$0x3FAD]  }
0x30: {  	s3 =	sld [smem:$0x3FB0]  }
0x31: {  	[smem:$0x3FB9] =	sst s10  }
0x32: {  	s10 =	sld [smem:$0x3FB7];
	_ =	sdelay $0x3  }
0x33: {  	p0 =	seq.s32 s10, $0x1;
	s10 =	sld [smem:$0x3FB9];
	_ =	sdelay $0x3  }
0x34: {  	[smem:$0x3FB9] =	sst s10  }
0x35: {  	s10 =	sld [smem:$0x3FB8];
	_ =	sdelay $0x3  }
0x36: {  	p1 =	seq.s32 s10, $0x1;
	s10 =	sld [smem:$0x3FB9];
	_ =	sdelay $0x3  }
0x37: {  	[smem:$0x3FB9] =	sst s10  }
0x38: {  	s10 =	sld [smem:$0x3FBA]  }
0x39: {  	_ = 	snop;
	(pc) =	sbr.ind lr, $3  }
0x3a: {  	_ = 	snop  }
0x3b: {  	_ = 	snop  }
0x3c: {  	p2 =	seq.s32 s10, $0x1;
	s10 =	sld [smem:$0x3FB9]  }
0x3d: {  	_ =	shalt  }
0x3e: {  	_ =	shalt  }
0x3f: {  	_ =	shalt  }
0x40: {  	_ =	shalt  }
0x41: {  	_ =	shalt  }
0x42: {  	_ =	shalt  }
0x43: {  	_ =	shalt  }
0x44: {  	_ =	shalt  }
0x45: {  	_ =	shalt  }
0x46: {  	_ =	shalt  }
0x47: {  	_ =	shalt  }
0x48: {  	_ =	shalt  }
0x49: {  	_ =	shalt  }
0x4a: {  	_ =	shalt  }
0x4b: {  	_ =	shalt  }
0x4c: {  	_ =	shalt  }
0x4d: {  	_ =	shalt  }
0x4e: {  	_ =	shalt  }
0x4f: {  	_ =	shalt  }
0x50: {  	_ =	shalt  }
0x51: {  	_ =	shalt  }
0x52: {  	_ =	shalt  }
0x53: {  	_ =	shalt  }
0x54: {  	_ =	shalt  }
0x55: {  	_ =	shalt  }
0x56: {  	_ =	shalt  }
0x57: {  	_ =	shalt  }
0x58: {  	_ =	shalt  }
0x59: {  	_ =	shalt  }
0x5a: {  	_ =	shalt  }
0x5b: {  	_ =	shalt  }
0x5c: {  	_ =	shalt  }
0x5d: {  	_ =	shalt  }
0x5e: {  	_ =	shalt  }
0x5f: {  	_ =	shalt  }
0x60: {  	_ =	shalt  }
0x61: {  	_ =	shalt  }
0x62: {  	_ =	shalt  }
0x63: {  	_ =	shalt  }
0x64: {  	_ =	shalt  }
0x65: {  	_ =	shalt  }
0x66: {  	_ =	shalt  }
0x67: {  	_ =	shalt  }
0x68: {  	_ =	shalt  }
0x69: {  	_ =	shalt  }
0x6a: {  	_ =	shalt  }
0x6b: {  	_ =	shalt  }
0x6c: {  	_ =	shalt  }
0x6d: {  	_ =	shalt  }
0x6e: {  	_ =	shalt  }
0x6f: {  	_ =	shalt  }
0x70: {  	_ =	shalt  }
0x71: {  	_ =	shalt  }
0x72: {  	_ =	shalt  }
0x73: {  	_ =	shalt  }
0x74: {  	_ =	shalt  }
0x75: {  	_ =	shalt  }
0x76: {  	_ =	shalt  }
0x77: {  	_ =	shalt  }
0x78: {  	_ =	shalt  }
0x79: {  	_ =	shalt  }
0x7a: {  	_ =	shalt  }
0x7b: {  	_ =	shalt  }
0x7c: {  	_ =	shalt  }
0x7d: {  	_ =	shalt  }
0x7e: {  	_ =	shalt  }
0x7f: {  	_ =	shalt  }
0x80: {  	_ =	shalt  }
0x81: {  	_ =	shalt  }
0x82: {  	_ =	shalt  }
0x83: {  	_ =	shalt  }
0x84: {  	_ =	shalt  }
0x85: {  	_ =	shalt  }
0x86: {  	_ =	shalt  }
0x87: {  	_ =	shalt  }
.Lfunc_end0:
.L_simem_size_0:
called_computation_lowered:
.L_overlay_start_0:
0x88: {  	s2 =	sld [smem:$0x3FD9]  }
0x89: {  	s3 =	sld [smem:$0x3FFE];
	_ =	sdelay $0x1  }
0x8a: {  	s1 =	srdreg.scid  }
0x8b: {  	s0 =	sand.u32 $0x1, s1  }
0x8c: {  	s15 =	sshll.u32 s0, $0xA;
	s2 =	sadd.s32 s3, s2  }
0x8d: {  	s2 =	sadd.s32 s2, s15  }
0x8e: {  	[smem:$0x3FC5] =	sst s2  }
0x8f: {  	_ = 	snop  }
0x90: {  	s2 =	sld [smem:$0x3FD0]  }
0x91: {  	s16 =	sld [smem:$0x3FC9]  }
0x92: {  	s4 =	sld [smem:$0x3FC8]  }
0x93: {  	s6 =	simm.s32 $0xA;
	s7 =	simm.s32 $0x10;
	s5 =	sld [smem:$0x3FC7]  }
0x94: {  	[smem:s7], [sflag:s6] =	dma.local [hbm:s2], $0x1  }
0x95: {  	_ =	swait.eq [sflag:s6], $0x1  }
0x96: {  	s17 =	sld [smem:$0x10]  }
0x97: {  	s18 =	sld [smem:$0x11]  }
0x98: {  	s8 =	sld [smem:$0x12];
	[sflag:s6] =	ssyncset.done $0x0  }
0x99: {  	s9 =	sld [smem:$0x13];
	[sflag:s6] =	ssyncadd.s32 $0xFFFFFFFF  }
0x9a: {  	s19 =	sld [smem:$0x14];
	(tm) =	ssettm $0x1  }
0x9b: {  	s10 =	sld [smem:$0x3FFB];
	_ =	sdelay $0x3  }
0x9c: {  	_ =	strace s10  }
0x9d: {  	s10 =	sld [smem:$0x3FFC];
	_ =	sdelay $0x3  }
0x9e: {  	_ =	strace s10  }
0x9f: {  	s10 =	sld [smem:$0x3FFD];
	_ =	sdelay $0x3  }
0xa0: {  	_ =	strace s10  }
0xa1: {  	_ =	strace $0x8FFFFFFF  }
0xa2: {  	s20 =	sld [smem:$0x3FDB];
	_ =	sdelay $0x1  }
0xa3: {  	s11 =	simm.s32 $_scs_section_size  }
0xa4: {  	s12 =	simm.s32 $_size__tile_overlayer_lowered;
	s13 =	simm.s32 $_tile_overlayer_lowered  }
0xa5: {  	s23 =	simm.s32 $0x1BFF;
	s22 =	sshll.u32 s13, $0x1;
	s10 =	sadd.s32 s11, s20  }
0xa6: {  	s14 =	simm.s32 $0x0;
	s21 =	sshll.u32 s12, $0x1;
	s12 =	sadd.s32 s22, s10  }
0xa7: {  	[timem:s14], [sflag:s23] =	dma.local [hbm:s12], s21  }
0xa8: {  	_ =	swait.ge [sflag:s23], s21  }
0xa9: {  	s11 =	ssub.s32 $0x0, s21;
	[sflag:s23] =	ssyncset.done $0x0  }
0xaa: {  	[sflag:s23] =	ssyncadd.s32 s11;
	_ =	sdelay $0x1  }
0xab: {  	s24 =	simm.s32 $0x1B8B  }
0xac: {  	_ =	swait.ge [sflag:s24], $0x1  }
0xad: {  	[sflag:s24] =	ssyncset.done $0x0  }
0xae: {  	s25 =	simm.s32 $0x1B8E;
	[sflag:s24] =	ssyncadd.s32 $0xFFFFFFFF  }
0xaf: {  	s26 =	simm.s32 $execute0_lowered;
	[smem:$0x3FD2] =	sst s25  }
0xb0: {  	s11 =	sshll.u32 s26, $0x1;
	_ =	strace $0x80000046;
	[dreg:$0x1] =	wrdreg $0xFFFFFFFF  }
0xb1: {  	s28 =	simm.s32 $_size_execute0_lowered;
	s10 =	sadd.s32 s10, s11;
	[dreg:$0x0] =	wrdreg $0x0  }
0xb2: {  	s11 =	sshll.u32 s28, $0x1;
	[dreg:$0x2] =	wrdreg s10  }
0xb3: {  	[dreg:$0x3] =	wrdreg s11  }
0xb4: {  	[dreg:$0x4] =	wrdreg $0xC0  }
0xb5: {  	_ =	task [dreg:s14], $0x5FFFF  }
0xb6: {  	[dreg:$0x1] =	wrdreg $0xFFFFFFFF  }
0xb7: {  	[dreg:$0x0] =	wrdreg $0x60  }
0xb8: {  	[dreg:$0x2] =	wrdreg s16  }
0xb9: {  	[dreg:$0x3] =	wrdreg s4  }
0xba: {  	[dreg:$0x4] =	wrdreg s5  }
0xbb: {  	[dreg:$0x5] =	wrdreg s17  }
0xbc: {  	[dreg:$0x6] =	wrdreg s18  }
0xbd: {  	[dreg:$0x7] =	wrdreg s8  }
0xbe: {  	[dreg:$0x8] =	wrdreg s9  }
0xbf: {  	[dreg:$0x9] =	wrdreg s19  }
0xc0: {  	[dreg:$0xa] =	wrdreg $0x9  }
0xc1: {  	_ =	task.clear_ibuf [dreg:s14], $0xBFFFF;
	_ =	strace $0x90000046  }
0xc2: {  	s29 =	simm.s32 $0x9;
	_ =	strace $0x80000048  }
0xc3: {  	_ =	swait.ge [sflag:s29], $0x1  }
0xc4: {  	[sflag:s29] =	ssyncadd.s32 $0xFFFFFFFF  }
0xc5: {  	_ =	strace $0x90000048  }
0xc6: {  	_ =	sfence  }
0xc7: {  	s30 =	sld [smem:$0x0];
	_ =	sdelay $0x2  }
0xc8: {  	s31 =	sshll.u32 s1, $0xD;
	s1 =	sshrl.u32 s1, $0x2  }
0xc9: {  	s3 =	sand.u32 $0x4000, s31;
	s1 =	sadd.s32 s1, s30  }
0xca: {  	s0 =	sor.u32 s3, s0;
	s1 =	sshll.u32 s1, $0x11  }
0xcb: {  	s0 =	sor.u32 s1, s0  }
0xcc: {  	s0 =	sadd.s32 $0x8F2B, s0  }
0xcd: {  	[sflag:s0] =	ssyncadd.remote.s32 $0x1  }
0xce: {  	_ =	sfence.sel $0xFFFF  }
0xcf: {  	[dreg:$0x0] =	wrdreg $0xFFFFFFFF;
	(pc) =	sbr.abs _section_cstart, $3  }
0xd0: {  	[dreg:$0x1] =	wrdreg $0xFFFFFFFF  }
0xd1: {  	_ =	task.clear_ibuf [dreg:s14], $0x2FFFF;
	_ =	strace $0x9FFFFFFF  }
0xd2: {  	(tm) =	ssettm $0x7FFFFFFF  }
0xd3: {  	_ =	shalt  }
tec
execute0_lowered:
.L_overlay_start_1:
0x0: {  	(tag) =	ssettag $0x1  }
0x1: {  	s0 =	rddreg [dreg:$0x0]  }
0x2: {  	s4 =	rddreg [dreg:$0x1]  }
0x3: {  	s5 =	rddreg [dreg:$0x2]  }
0x4: {  	s6 =	rddreg [dreg:$0x3]  }
0x5: {  	s7 =	rddreg [dreg:$0x4]  }
0x6: {  	s8 =	rddreg [dreg:$0x5]  }
0x7: {  	s9 =	rddreg [dreg:$0x6]  }
0x8: {  	s10 =	rddreg [dreg:$0x7];
	s3 =	srdreg.scid  }
0x9: {  	s2 =	stileid.u32;
	s1 =	rddreg [dreg:$0x8];
	s15 =	simm.s32 $0xF000  }
0xa: {  	s16 =	simm.s32 $0xA000;
	s17 =	simm.s32 $0xB400;
	s18 =	simm.s32 $0xC800  }
0xb: {  	s19 =	simm.s32 $0xDC00;
	s11 =	sand.u32 $0x1, s3;
	s12 =	sshll.u32 s2, $0x1  }
0xc: {  	s3 =	simm.s32 $0x0;
	s13 =	ssub.s32 $0x2, s11;
	s11 =	sor.u32 s11, s12  }
0xd: {  	s20 =	simm.s32 $0x0;
	[smem:$0x7FF] =	sst s3;
	s14 =	smul.u32 $0x280, s11  }
0xe: {  	s31 =	sshrl.u32 s13, $0x1;
	_ =	strace $0x80000047;
	s11 =	smul.u32 $0x500, s11  }
0xf: {  	s12 =	ssub.s32 s13, s31;
	s13 =	simm.s32 $0x7800;
	s4 =	sadd.s32 s4, s14  }
0x10: {  	s5 =	sadd.s32 s5, s14;
	s6 =	sadd.s32 s6, s14;
	s7 =	sadd.s32 s7, s14  }
0x11: {  	s8 =	sadd.s32 s8, s14;
	s9 =	sadd.s32 s9, s14;
	s10 =	sadd.s32 s10, s11  }
0x12: {  	v0 =	vimm.f32 $0.0e+00;
	s11 =	smax.u32 s12, $0x1;
	s12 =	simm.s32 $0x1;
	s14 =	simm.s32 $0x8C00  }
.LBB2_1:
0x13: {  	[tilespmem:s3], [sflag:$0x1] =	stream.linear.gather [hbm4b:s0+s3], $0x7800, $0x38;
	[tilespmem:$0x11800] =	vst v63  }
0x14: {  	_ =	swait.ge [sflag:s12], $0x7800  }
0x15: {  	[sflag:s12] =	ssyncset.done $0x0  }
0x16: {  	[sflag:s12] =	ssyncadd.s32 $0xFFFF8800  }
0x17: {  	[tilespmem:s13], [sflag:$0x1] =	stream.linear.gather [hbm4b:s4+s3], $0x1400, $0x38;
	[tilespmem:$0x11800] =	vst v63  }
0x18: {  	_ =	swait.ge [sflag:s12], $0x1400  }
0x19: {  	[sflag:s12] =	ssyncset.done $0x0  }
0x1a: {  	[sflag:s12] =	ssyncadd.s32 $0xFFFFEC00  }
0x1b: {  	[tilespmem:s14], [sflag:$0x1] =	stream.linear.gather [hbm4b:s5+s3], $0x1400, $0x38;
	[tilespmem:$0x11800] =	vst v63  }
0x1c: {  	_ =	swait.ge [sflag:s12], $0x1400  }
0x1d: {  	[sflag:s12] =	ssyncset.done $0x0  }
0x1e: {  	s21 =	simm.s32 $0x0;
	[sflag:s12] =	ssyncadd.s32 $0xFFFFEC00  }
.LBB2_2:
0x1f: {  	p0 =	sne.s32 s21, $0x9FC0  }
.Ltmp0:
0x20: {  	_ = 	snop;
	(pc) =	sbr.rel @p0 .LBB2_2-.Ltmp0, $3  }
0x21: {  	_ =	sdelay $0x1  }
0x22: {  	s22 =	sshra.s32 s21, $0x2  }
0x23: {  	s21 =	sadd.s32 $0x40, s21;
	[tilespmem:s22+$0xF000] =	vst v0  }
0x24: {  	s21 =	simm.s32 $0x0  }
0x25: {  	v1 =	vld [tilespmem:s21+$0x7800]  }
0x26: {  	v2 =	vld [tilespmem:s21+$0x8C00];
	_ =	sdelay $0x6  }
0x27: {  	v3 =	vld.idx.msk [tilespmem:v1+s3+$0x0], $0xffff  }
0x28: {  	v4 =	vld.idx.msk [tilespmem:v2+s3+$0x0], $0xffff;
	_ =	sdelay $0x2  }
0x29: {  	v5 =	vadd.s32 $0x2800, v1  }
0x2a: {  	v6 =	vadd.s32 $0x2800, v2  }
0x2b: {  	v3 =	vsub.f32 v3, v4;
	_ =	sdelay $0x1  }
0x2c: {  	[tilespmem:s21+$0xB400] =	vst v3  }
0x2d: {  	v4 =	vld.idx.msk [tilespmem:v5+s3+$0x0], $0xffff  }
0x2e: {  	v5 =	vld.idx.msk [tilespmem:v6+s3+$0x0], $0xffff;
	_ =	sdelay $0x2  }
0x2f: {  	v63 =	vadd.s32 $0x5000, v1  }
0x30: {  	v2 =	vadd.s32 $0x5000, v2  }
0x31: {  	v4 =	vsub.f32 v4, v5;
	_ =	sdelay $0x1  }
0x32: {  	[tilespmem:s21+$0xC800] =	vst v4  }
0x33: {  	v5 =	vld.idx.msk [tilespmem:v63+s3+$0x0], $0xffff  }
0x34: {  	v2 =	vld.idx.msk [tilespmem:v2+s3+$0x0], $0xffff;
	_ =	sdelay $0x4  }
0x35: {  	v3 =	vmul.f32 v3, v3;
	v4 =	vmul.f32 v4, v4;
	v5 =	vsub.f32 v5, v2;
	_ =	sdelay $0x1  }
0x36: {  	s22 =	simm.s32 $0x40;
	v2 =	vadd.f32 v4, v3;
	[tilespmem:s21+$0xDC00] =	vst v5;
	v3 =	vmul.f32 v5, v5  }
.LBB2_4:
0x37: {  	_ = 	snop  }
0x38: {  	p0 =	sne.s32 s22, $0x4FC0;
	s23 =	smov.u32 s22;
	s22 =	sadd.s32 $0x40, s22;
	v2 =	vadd.f32 v3, v2  }
0x39: {  	_ = 	snop  }
0x3a: {  	[tilespmem:s21+$0xA000] =	vst v2  }
0x3b: {  	s21 =	sshra.s32 s23, $0x2;
	[tilespmem:v1+s15+$0x0] =	vst.idx.add.f32.msk $0xffff, v2  }
0x3c: {  	v1 =	vld [tilespmem:s21+$0x7800]  }
0x3d: {  	v2 =	vld [tilespmem:s21+$0x8C00];
	_ =	sdelay $0x6  }
0x3e: {  	v3 =	vld.idx.msk [tilespmem:v1+s3+$0x0], $0xffff  }
0x3f: {  	v4 =	vld.idx.msk [tilespmem:v2+s3+$0x0], $0xffff;
	_ =	sdelay $0x3  }
0x40: {  	v5 =	vadd.s32 $0x2800, v1;
	v6 =	vadd.s32 $0x2800, v2;
	_ =	sdelay $0x1  }
0x41: {  	v3 =	vsub.f32 v3, v4;
	_ =	sdelay $0x1  }
0x42: {  	[tilespmem:s21+$0xB400] =	vst v3  }
0x43: {  	v4 =	vld.idx.msk [tilespmem:v5+s3+$0x0], $0xffff  }
0x44: {  	v5 =	vld.idx.msk [tilespmem:v6+s3+$0x0], $0xffff;
	_ =	sdelay $0x3  }
0x45: {  	v2 =	vadd.s32 $0x5000, v2;
	v6 =	vadd.s32 $0x5000, v1;
	_ =	sdelay $0x1  }
0x46: {  	v4 =	vsub.f32 v4, v5;
	_ =	sdelay $0x1  }
0x47: {  	[tilespmem:s21+$0xC800] =	vst v4;
	v4 =	vmul.f32 v4, v4  }
0x48: {  	v5 =	vld.idx.msk [tilespmem:v6+s3+$0x0], $0xffff  }
0x49: {  	v6 =	vld.idx.msk [tilespmem:v2+s3+$0x0], $0xffff;
	_ =	sdelay $0x2  }
0x4a: {  	v2 =	vmul.f32 v3, v3  }
.Ltmp1:
0x4b: {  	(pc) =	sbr.rel @p0 .LBB2_4-.Ltmp1, $3  }
0x4c: {  	v2 =	vadd.f32 v4, v2  }
0x4d: {  	v3 =	vsub.f32 v5, v6;
	_ =	sdelay $0x1  }
0x4e: {  	[tilespmem:s21+$0xDC00] =	vst v3;
	v3 =	vmul.f32 v3, v3  }
0x4f: {  	_ = 	snop  }
0x50: {  	v2 =	vadd.f32 v3, v2;
	_ =	sdelay $0x1  }
0x51: {  	[tilespmem:s21+$0xA000] =	vst v2  }
0x52: {  	[tilespmem:v1+s15+$0x0] =	vst.idx.add.f32.msk $0xffff, v2  }
0x53: {  	[hbm4b:s6+s3] =	stream.linear.scatter [tilespmem:s16], [sflag:$0x1], $0x1400, $0x38;
	[tilespmem:$0x11800] =	vst v63  }
0x54: {  	_ =	swait.ge [sflag:s12], $0x1400  }
0x55: {  	[sflag:s12] =	ssyncset.done $0x0  }
0x56: {  	[sflag:s12] =	ssyncadd.s32 $0xFFFFEC00  }
0x57: {  	[hbm4b:s7+s3] =	stream.linear.scatter [tilespmem:s17], [sflag:$0x1], $0x1400, $0x38;
	[tilespmem:$0x11800] =	vst v63  }
0x58: {  	_ =	swait.ge [sflag:s12], $0x1400  }
0x59: {  	[sflag:s12] =	ssyncset.done $0x0  }
0x5a: {  	[sflag:s12] =	ssyncadd.s32 $0xFFFFEC00  }
0x5b: {  	[hbm4b:s8+s3] =	stream.linear.scatter [tilespmem:s18], [sflag:$0x1], $0x1400, $0x38;
	[tilespmem:$0x11800] =	vst v63  }
0x5c: {  	_ =	swait.ge [sflag:s12], $0x1400  }
0x5d: {  	[sflag:s12] =	ssyncset.done $0x0  }
0x5e: {  	[sflag:s12] =	ssyncadd.s32 $0xFFFFEC00  }
0x5f: {  	[hbm4b:s9+s3] =	stream.linear.scatter [tilespmem:s19], [sflag:$0x1], $0x1400, $0x38;
	[tilespmem:$0x11800] =	vst v63  }
0x60: {  	s20 =	sadd.s32 $0x1, s20;
	_ =	swait.ge [sflag:s12], $0x1400  }
0x61: {  	p0 =	sne.s32 s20, s11;
	[sflag:s12] =	ssyncset.done $0x0  }
.Ltmp2:
0x62: {  	[sflag:s12] =	ssyncadd.s32 $0xFFFFEC00;
	(pc) =	sbr.rel @p0 .LBB2_1-.Ltmp2, $4  }
0x63: {  	[hbm4b:s10+s3] =	stream.linear.scatter [tilespmem:s15], [sflag:$0x1], $0x2800, $0x38;
	[tilespmem:$0x11800] =	vst v63  }
0x64: {  	_ =	swait.ge [sflag:s12], $0x2800  }
0x65: {  	[sflag:s12] =	ssyncset.done $0x0  }
0x66: {  	[sflag:s12] =	ssyncadd.s32 $0xFFFFD800  }
0x67: {  	_ =	sfence.sel $0x180000  }
0x68: {  	[bflag:$0x0] =	sbarrier.arrive $0xFFFF  }
0x69: {  	p0 =	sne.s32 s2, $0x0;
	_ =	strace $0x90000047  }
0x6a: {  	s0 =	sadd.s32 @!p0 $0x100000, s1;
	[bflag:$0x2] =	sbarrier.arrive $0xFFFF  }
0x6b: {  	[sflag:s0] =	ssyncadd.tile.s32 @!p0 $0x1;
	_ =	shalt  }
.Lfunc_end2:
_tile_overlayer_lowered:
.L_overlay_start_2:
0x6c: {  	(tag) =	ssettag $0x2  }
0x6d: {  	s0 =	rddreg [dreg:$0x0];
	s2 =	stileid.u32  }
0x6e: {  	s1 =	rddreg [dreg:$0x1];
	p0 =	sne.s32 s2, $0x0  }
0x6f: {  	s3 =	rddreg [dreg:$0x2];
	[bflag:$0x3] =	sbarrier.arrive $0xFFFF;
	s2 =	simm.s32 @!p0 $0x1C01  }
0x70: {  	[timem:s3], [sflag:s2] =	dma.local @!p0 [hbm:s0], s1  }
0x71: {  	s0 =	simm.s32 @!p0 $0x1  }
0x72: {  	_ =	swait.ge @!p0 [sflag:s0], s1  }
0x73: {  	s1 =	ssub.s32 @!p0 $0x0, s1;
	[sflag:s0] =	ssyncset.done @!p0 $0x0  }
0x74: {  	[sflag:s0] =	ssyncadd.s32 @!p0 s1  }
0x75: {  	[bflag:$0x3] =	sbarrier.arrive $0xFFFF  }
0x76: {  	_ =	shalt  }

</sc_bundles>
